<compile_context>
chip_gen: v7x
topology: tpu7x:2x2x1
jax: 0.10.2.dev20260603
libtpu: 0.0.44.dev20260713+nightly
codegen_flags: <defaults>
</compile_context>

<pallas_src>
import functools

import jax
import jax.numpy as jnp
from jax import lax
from jax.experimental import pallas as pl
from jax.experimental.pallas import tpu as pltpu
from jax.experimental.pallas import tpu_sc as plsc

_RATIO = 1.703
_LANES = 16


@functools.lru_cache(maxsize=None)
def _build(batch: int):
    info = plsc.get_sparse_core_info()
    num_workers = info.num_cores * info.num_subcores
    assert batch % (num_workers * _LANES) == 0
    b_per_w = batch // num_workers
    mesh = plsc.VectorSubcoreMesh(core_axis_name="c", subcore_axis_name="s")

    out_t = jax.ShapeDtypeStruct((batch,), jnp.float32)

    @functools.partial(
        pl.kernel,
        mesh=mesh,
        out_type=[out_t, out_t],
        scratch_types=[
            pltpu.VMEM((b_per_w,), jnp.int32),
            pltpu.VMEM((b_per_w,), jnp.float32),
            pltpu.VMEM((b_per_w,), jnp.float32),
            pltpu.VMEM((b_per_w,), jnp.float32),
            pltpu.SemaphoreType.DMA,
            pltpu.SemaphoreType.DMA,
        ],
    )
    def irt_a(exer_id_hbm, disc_tab, diff_tab,
              b_hbm, s_hbm,
              eidx_v, disc_f, diff_f, s_v,
              sem0, sem1):
        wid = lax.axis_index("s") * info.num_cores + lax.axis_index("c")
        sl = pl.ds(wid * b_per_w, b_per_w)
        pltpu.sync_copy(exer_id_hbm.at[sl], eidx_v)
        g1 = pltpu.async_copy(disc_tab.at[eidx_v], disc_f, sem0)
        g2 = pltpu.async_copy(diff_tab.at[eidx_v], diff_f, sem1)
        g2.wait()
        w1 = pltpu.async_copy(diff_f, b_hbm.at[sl], sem1)
        g1.wait()

        def body(i, _):
            csl = pl.ds(pl.multiple_of(i * _LANES, _LANES), _LANES)
            dc = disc_f[csl]
            s_v[csl] = _RATIO / (1.0 + jnp.exp(-dc))
            return 0

        lax.fori_loop(0, b_per_w // _LANES, body, 0)
        w2 = pltpu.async_copy(s_v, s_hbm.at[sl], sem0)
        w1.wait()
        w2.wait()

    @functools.partial(
        pl.kernel,
        mesh=mesh,
        out_type=[out_t, out_t],
        scratch_types=[
            pltpu.VMEM((b_per_w,), jnp.int32),
            pltpu.VMEM((b_per_w,), jnp.float32),
            pltpu.VMEM((b_per_w,), jnp.float32),
            pltpu.VMEM((b_per_w,), jnp.float32),
            pltpu.VMEM((b_per_w,), jnp.float32),
            pltpu.SemaphoreType.DMA,
            pltpu.SemaphoreType.DMA,
            pltpu.SemaphoreType.DMA,
        ],
    )
    def irt_b(stu_id_hbm, theta_tab, s_hbm, b_hbm,
              out_hbm, theta_hbm,
              sidx_v, theta_f, s_f, b_f, out_v,
              sem0, sem1, sem2):
        wid = lax.axis_index("s") * info.num_cores + lax.axis_index("c")
        sl = pl.ds(wid * b_per_w, b_per_w)
        c0 = pltpu.async_copy(stu_id_hbm.at[sl], sidx_v, sem0)
        c1 = pltpu.async_copy(s_hbm.at[sl], s_f, sem1)
        c2 = pltpu.async_copy(b_hbm.at[sl], b_f, sem2)
        c0.wait()
        g0 = pltpu.async_copy(theta_tab.at[sidx_v], theta_f, sem0)
        g0.wait()
        w1 = pltpu.async_copy(theta_f, theta_hbm.at[sl], sem0)
        c1.wait()
        c2.wait()

        def body(i, _):
            csl = pl.ds(pl.multiple_of(i * _LANES, _LANES), _LANES)
            th = theta_f[csl]
            s = s_f[csl]
            bb = b_f[csl]
            out_v[csl] = 1.0 / (1.0 + jnp.exp(-s * (th - bb)))
            return 0

        lax.fori_loop(0, b_per_w // _LANES, body, 0)
        w0 = pltpu.async_copy(out_v, out_hbm.at[sl], sem1)
        w0.wait()
        w1.wait()

    return irt_a, irt_b


def kernel(stu_id, exer_id, student_emb, proj_disc, proj_diff):
    batch = stu_id.shape[0]
    irt_a, irt_b = _build(batch)
    b, s = irt_a(exer_id, proj_disc.reshape(-1), proj_diff.reshape(-1))
    out, theta = irt_b(stu_id, student_emb.reshape(-1), s, b)
    return out, b.reshape(batch, 1), theta.reshape(batch, 1)

# --- scband reference (transcript-rebuilt; emitter-appended) ---
"""Pipeline reference for scband-irt-84670985274147 (READ-ONLY COPY).

The authoritative reference and input builder live on the scoring server;
editing this copy changes nothing except your own understanding.
"""

import jax, jax.numpy as jnp
import numpy as np

STUDENT_N = 1000000
EXER_N = 100000
BATCH = 16384
RATIO = 1.703
A_RANGE = 1.0

def setup_inputs(seed: int = 0) -> dict:
    key = jax.random.key(seed)
    k1, k2, k3, k4, k5 = jax.random.split(key, 5)
    stu_id = jax.random.randint(k1, (BATCH,), 0, STUDENT_N, dtype=jnp.int64 if jax.config.jax_enable_x64 else jnp.int32)
    exer_id = jax.random.randint(k2, (BATCH,), 0, EXER_N, dtype=jnp.int64 if jax.config.jax_enable_x64 else jnp.int32)
    # xavier_normal for [V,1] embedding weights: std = sqrt(2/(fan_in+fan_out)) = sqrt(2/(V+1))
    student_emb = jax.random.normal(k3, (STUDENT_N, 1), dtype=jnp.float32) * np.sqrt(2.0 / (STUDENT_N + 1))
    proj_disc = jax.random.normal(k4, (EXER_N, 1), dtype=jnp.float32) * np.sqrt(2.0 / (EXER_N + 1))
    proj_diff = jax.random.normal(k5, (EXER_N, 1), dtype=jnp.float32) * np.sqrt(2.0 / (EXER_N + 1))
    return {"stu_id": stu_id, "exer_id": exer_id, "student_emb": student_emb, "proj_disc": proj_disc, "proj_diff": proj_diff}

def reference(stu_id, exer_id, student_emb, proj_disc, proj_diff):
    theta = jnp.take(student_emb, stu_id, axis=0)            # [B, 1]
    a = jax.nn.sigmoid(jnp.take(proj_disc, exer_id, axis=0)) * A_RANGE  # [B, 1]
    b = jnp.take(proj_diff, exer_id, axis=0)                 # [B, 1]
    # sigmoid=False branch: no extra sigmoids on theta/b
    output = 1.0 / (1.0 + jnp.exp(-RATIO * a * (theta - b)))
    return (jnp.squeeze(output), b, theta)

if __name__ == "__main__":
    import jax
    _d = setup_inputs()
    print(jax.jit(kernel)(*tuple(_d.values())))

</pallas_src>

<mosaic_0001>
#map = affine_map<(d0, d1) -> (0)>
module attributes {stable_mosaic.version = 14 : i64} {
  func.func @irt_b(%arg0: i32, %arg1: i32, %arg2: memref<16384xi32, #tpu.memory_space<hbm>>, %arg3: memref<1000000xf32, #tpu.memory_space<hbm>>, %arg4: memref<16384xf32, #tpu.memory_space<hbm>>, %arg5: memref<16384xf32, #tpu.memory_space<hbm>>, %arg6: memref<16384xf32, #tpu.memory_space<hbm>>, %arg7: memref<16384xf32, #tpu.memory_space<hbm>>, %arg8: memref<512xi32, #tpu.memory_space<vmem>>, %arg9: memref<512xf32, #tpu.memory_space<vmem>>, %arg10: memref<512xf32, #tpu.memory_space<vmem>>, %arg11: memref<512xf32, #tpu.memory_space<vmem>>, %arg12: memref<512xf32, #tpu.memory_space<vmem>>, %arg13: memref<!tpu.dma_semaphore, #tpu.memory_space<semaphore_mem>>, %arg14: memref<!tpu.dma_semaphore, #tpu.memory_space<semaphore_mem>>, %arg15: memref<!tpu.dma_semaphore, #tpu.memory_space<semaphore_mem>>) attributes {dimension_semantics = [#tpu.dimension_semantics<core_parallel>, #tpu.dimension_semantics<subcore_parallel>], iteration_bounds = array<i64: 2, 16>, scalar_prefetch = 0 : i64, scratch_operands = 8 : i64, tpu.core_type = #tpu.core_type<sc_vector_subcore>, window_params = [{transform_indices = #map}, {transform_indices = #map}, {transform_indices = #map}, {transform_indices = #map}, {transform_indices = #map}, {transform_indices = #map}]} {
    %mul3A = arith.constant 2 : i32
    %mul3A_0 = arith.muli %arg1, %mul3A : i32
    %add3A = arith.addi %mul3A_0, %arg0 : i32
    %mul3A_1 = arith.constant 512 : i32
    %mul3A_2 = arith.muli %add3A, %mul3A_1 : i32
    %dma_start3A = tpu.memref_slice %arg2[%mul3A_2] : memref<16384xi32, #tpu.memory_space<hbm>> -> memref<512xi32, #tpu.memory_space<hbm>>
    %dma_start3A_3 = tpu.memref_slice %arg2[%mul3A_2] : memref<16384xi32, #tpu.memory_space<hbm>> -> memref<512xi32, #tpu.memory_space<hbm>>
    tpu.enqueue_dma source(%dma_start3A_3 : memref<512xi32, #tpu.memory_space<hbm>>) target(%arg8 : memref<512xi32, #tpu.memory_space<vmem>>) target_semaphore(%arg13 : memref<!tpu.dma_semaphore, #tpu.memory_space<semaphore_mem>>)
    %dma_start3A_4 = tpu.memref_slice %arg4[%mul3A_2] : memref<16384xf32, #tpu.memory_space<hbm>> -> memref<512xf32, #tpu.memory_space<hbm>>
    %dma_start3A_5 = tpu.memref_slice %arg4[%mul3A_2] : memref<16384xf32, #tpu.memory_space<hbm>> -> memref<512xf32, #tpu.memory_space<hbm>>
    tpu.enqueue_dma source(%dma_start3A_5 : memref<512xf32, #tpu.memory_space<hbm>>) target(%arg10 : memref<512xf32, #tpu.memory_space<vmem>>) target_semaphore(%arg14 : memref<!tpu.dma_semaphore, #tpu.memory_space<semaphore_mem>>)
    %dma_start3A_6 = tpu.memref_slice %arg5[%mul3A_2] : memref<16384xf32, #tpu.memory_space<hbm>> -> memref<512xf32, #tpu.memory_space<hbm>>
    %dma_start3A_7 = tpu.memref_slice %arg5[%mul3A_2] : memref<16384xf32, #tpu.memory_space<hbm>> -> memref<512xf32, #tpu.memory_space<hbm>>
    tpu.enqueue_dma source(%dma_start3A_7 : memref<512xf32, #tpu.memory_space<hbm>>) target(%arg11 : memref<512xf32, #tpu.memory_space<vmem>>) target_semaphore(%arg15 : memref<!tpu.dma_semaphore, #tpu.memory_space<semaphore_mem>>)
    %dma_wait3A = tpu.memref_slice %arg2[%mul3A_2] : memref<16384xi32, #tpu.memory_space<hbm>> -> memref<512xi32, #tpu.memory_space<hbm>>
    %dma_wait3A_8 = tpu.memref_slice %arg2[%mul3A_2] : memref<16384xi32, #tpu.memory_space<hbm>> -> memref<512xi32, #tpu.memory_space<hbm>>
    tpu.wait_dma2 semaphore(%arg13 : memref<!tpu.dma_semaphore, #tpu.memory_space<semaphore_mem>>) src(%dma_wait3A_8 : memref<512xi32, #tpu.memory_space<hbm>>) dst(%arg8 : memref<512xi32, #tpu.memory_space<vmem>>)
    %dma_start3A_9 = arith.constant 0 : i32
    %dma_start3A_10 = tpu.memref_slice %arg3[%dma_start3A_9] : memref<1000000xf32, #tpu.memory_space<hbm>> -> memref<1000000xf32, #tpu.memory_space<hbm>>
    tpu.enqueue_indirect_dma source(%dma_start3A_10 : memref<1000000xf32, #tpu.memory_space<hbm>>) target(%arg9 : memref<512xf32, #tpu.memory_space<vmem>>) offsets(%arg8 : memref<512xi32, #tpu.memory_space<vmem>>) semaphore(%arg13 : memref<!tpu.dma_semaphore, #tpu.memory_space<semaphore_mem>>)
    %dma_wait3A_11 = arith.constant 0 : i32
    %dma_wait3A_12 = tpu.memref_slice %arg3[%dma_wait3A_11] : memref<1000000xf32, #tpu.memory_space<hbm>> -> memref<1000000xf32, #tpu.memory_space<hbm>>
    tpu.wait_indirect_dma semaphore(%arg13 : memref<!tpu.dma_semaphore, #tpu.memory_space<semaphore_mem>>) src(%dma_wait3A_12 : memref<1000000xf32, #tpu.memory_space<hbm>>) dst(%arg9 : memref<512xf32, #tpu.memory_space<vmem>>)
    %dma_start3A_13 = tpu.memref_slice %arg7[%mul3A_2] : memref<16384xf32, #tpu.memory_space<hbm>> -> memref<512xf32, #tpu.memory_space<hbm>>
    %dma_start3A_14 = tpu.memref_slice %arg7[%mul3A_2] : memref<16384xf32, #tpu.memory_space<hbm>> -> memref<512xf32, #tpu.memory_space<hbm>>
    tpu.enqueue_dma source(%arg9 : memref<512xf32, #tpu.memory_space<vmem>>) target(%dma_start3A_14 : memref<512xf32, #tpu.memory_space<hbm>>) target_semaphore(%arg13 : memref<!tpu.dma_semaphore, #tpu.memory_space<semaphore_mem>>)
    %dma_wait3A_15 = tpu.memref_slice %arg4[%mul3A_2] : memref<16384xf32, #tpu.memory_space<hbm>> -> memref<512xf32, #tpu.memory_space<hbm>>
    %dma_wait3A_16 = tpu.memref_slice %arg4[%mul3A_2] : memref<16384xf32, #tpu.memory_space<hbm>> -> memref<512xf32, #tpu.memory_space<hbm>>
    tpu.wait_dma2 semaphore(%arg14 : memref<!tpu.dma_semaphore, #tpu.memory_space<semaphore_mem>>) src(%dma_wait3A_16 : memref<512xf32, #tpu.memory_space<hbm>>) dst(%arg10 : memref<512xf32, #tpu.memory_space<vmem>>)
    %dma_wait3A_17 = tpu.memref_slice %arg5[%mul3A_2] : memref<16384xf32, #tpu.memory_space<hbm>> -> memref<512xf32, #tpu.memory_space<hbm>>
    %dma_wait3A_18 = tpu.memref_slice %arg5[%mul3A_2] : memref<16384xf32, #tpu.memory_space<hbm>> -> memref<512xf32, #tpu.memory_space<hbm>>
    tpu.wait_dma2 semaphore(%arg15 : memref<!tpu.dma_semaphore, #tpu.memory_space<semaphore_mem>>) src(%dma_wait3A_18 : memref<512xf32, #tpu.memory_space<hbm>>) dst(%arg11 : memref<512xf32, #tpu.memory_space<vmem>>)
    %scan3A = arith.constant 0 : i32
    %scan3A_19 = arith.constant 0 : i32
    %scan3A_20 = arith.constant 32 : i32
    %scan3A_21 = arith.addi %scan3A_19, %scan3A_20 : i32
    %scan3A_22 = arith.constant 1 : i32
    %scan3A_23 = scf.for %scan3A_31 = %scan3A_19 to %scan3A_21 step %scan3A_22 iter_args(%scan3A_32 = %scan3A) -> (i32)  : i32 {
      %mul3A_33 = arith.constant 16 : i32
      %mul3A_34 = arith.muli %scan3A_31, %mul3A_33 : i32
      %multiple_of3A = tpu.assume_multiple %mul3A_34, 16 : i32
      %get3A = arith.index_cast %multiple_of3A : i32 to index
      %get3A_35 = tpu.vector_load %arg9[%get3A] {strides = array<i32>} : memref<512xf32, #tpu.memory_space<vmem>>, vector<16xf32>,
      %get3A_36 = vector.shape_cast %get3A_35 : vector<16xf32> to vector<16xf32>
      %get3A_37 = arith.index_cast %multiple_of3A : i32 to index
      %get3A_38 = tpu.vector_load %arg10[%get3A_37] {strides = array<i32>} : memref<512xf32, #tpu.memory_space<vmem>>, vector<16xf32>,
      %get3A_39 = vector.shape_cast %get3A_38 : vector<16xf32> to vector<16xf32>
      %get3A_40 = arith.index_cast %multiple_of3A : i32 to index
      %get3A_41 = tpu.vector_load %arg11[%get3A_40] {strides = array<i32>} : memref<512xf32, #tpu.memory_space<vmem>>, vector<16xf32>,
      %get3A_42 = vector.shape_cast %get3A_41 : vector<16xf32> to vector<16xf32>
      %neg3A = arith.constant 0.000000e+00 : f32
      %neg3A_43 = vector.broadcast %neg3A : f32 to vector<16xf32>
      %neg3A_44 = arith.subf %neg3A_43, %get3A_39 : vector<16xf32>
      %sub3A = arith.subf %get3A_36, %get3A_42 : vector<16xf32>
      %mul3A_45 = arith.mulf %neg3A_44, %sub3A : vector<16xf32>
      %exp3A = math.exp %mul3A_45 : vector<16xf32>
      %add3A_46 = arith.constant 1.000000e+00 : f32
      %add3A_47 = vector.broadcast %add3A_46 : f32 to vector<16xf32>
      %add3A_48 = arith.addf %add3A_47, %exp3A : vector<16xf32>
      %div3A = arith.constant 1.000000e+00 : f32
      %div3A_49 = vector.broadcast %div3A : f32 to vector<16xf32>
      %div3A_50 = arith.divf %div3A_49, %add3A_48 : vector<16xf32>
      %swap3A = arith.index_cast %multiple_of3A : i32 to index
      %swap3A_51 = tpu.vector_load %arg12[%swap3A] {strides = array<i32>} : memref<512xf32, #tpu.memory_space<vmem>>, vector<16xf32>,
      %swap3A_52 = vector.shape_cast %swap3A_51 : vector<16xf32> to vector<16xf32>
      %swap3A_53 = vector.shape_cast %div3A_50 : vector<16xf32> to vector<16xf32>
      tpu.vector_store %arg12[%swap3A], %swap3A_53 {strides = array<i32>} : memref<512xf32, #tpu.memory_space<vmem>>, vector<16xf32>,
      %scan3A_54 = arith.constant 0 : i32
      scf.yield %scan3A_54 : i32
    }
    %scan3A_24 = arith.constant 32 : i32
    %dma_start3A_25 = tpu.memref_slice %arg6[%mul3A_2] : memref<16384xf32, #tpu.memory_space<hbm>> -> memref<512xf32, #tpu.memory_space<hbm>>
    %dma_start3A_26 = tpu.memref_slice %arg6[%mul3A_2] : memref<16384xf32, #tpu.memory_space<hbm>> -> memref<512xf32, #tpu.memory_space<hbm>>
    tpu.enqueue_dma source(%arg12 : memref<512xf32, #tpu.memory_space<vmem>>) target(%dma_start3A_26 : memref<512xf32, #tpu.memory_space<hbm>>) target_semaphore(%arg14 : memref<!tpu.dma_semaphore, #tpu.memory_space<semaphore_mem>>)
    %dma_wait3A_27 = tpu.memref_slice %arg6[%mul3A_2] : memref<16384xf32, #tpu.memory_space<hbm>> -> memref<512xf32, #tpu.memory_space<hbm>>
    %dma_wait3A_28 = tpu.memref_slice %arg6[%mul3A_2] : memref<16384xf32, #tpu.memory_space<hbm>> -> memref<512xf32, #tpu.memory_space<hbm>>
    tpu.wait_dma2 semaphore(%arg14 : memref<!tpu.dma_semaphore, #tpu.memory_space<semaphore_mem>>) src(%arg12 : memref<512xf32, #tpu.memory_space<vmem>>) dst(%dma_wait3A_28 : memref<512xf32, #tpu.memory_space<hbm>>)
    %dma_wait3A_29 = tpu.memref_slice %arg7[%mul3A_2] : memref<16384xf32, #tpu.memory_space<hbm>> -> memref<512xf32, #tpu.memory_space<hbm>>
    %dma_wait3A_30 = tpu.memref_slice %arg7[%mul3A_2] : memref<16384xf32, #tpu.memory_space<hbm>> -> memref<512xf32, #tpu.memory_space<hbm>>
    tpu.wait_dma2 semaphore(%arg13 : memref<!tpu.dma_semaphore, #tpu.memory_space<semaphore_mem>>) src(%arg9 : memref<512xf32, #tpu.memory_space<vmem>>) dst(%dma_wait3A_30 : memref<512xf32, #tpu.memory_space<hbm>>)
    return
  }
}

#map = affine_map<(d0, d1) -> (0)>
module attributes {stable_mosaic.version = 14 : i64} {
  func.func @irt_a(%arg0: i32, %arg1: i32, %arg2: memref<16384xi32, #tpu.memory_space<hbm>>, %arg3: memref<100000xf32, #tpu.memory_space<hbm>>, %arg4: memref<100000xf32, #tpu.memory_space<hbm>>, %arg5: memref<16384xf32, #tpu.memory_space<hbm>>, %arg6: memref<16384xf32, #tpu.memory_space<hbm>>, %arg7: memref<512xi32, #tpu.memory_space<vmem>>, %arg8: memref<512xf32, #tpu.memory_space<vmem>>, %arg9: memref<512xf32, #tpu.memory_space<vmem>>, %arg10: memref<512xf32, #tpu.memory_space<vmem>>, %arg11: memref<!tpu.dma_semaphore, #tpu.memory_space<semaphore_mem>>, %arg12: memref<!tpu.dma_semaphore, #tpu.memory_space<semaphore_mem>>) attributes {dimension_semantics = [#tpu.dimension_semantics<core_parallel>, #tpu.dimension_semantics<subcore_parallel>], iteration_bounds = array<i64: 2, 16>, scalar_prefetch = 0 : i64, scratch_operands = 6 : i64, tpu.core_type = #tpu.core_type<sc_vector_subcore>, window_params = [{transform_indices = #map}, {transform_indices = #map}, {transform_indices = #map}, {transform_indices = #map}, {transform_indices = #map}]} {
    %mul3A = arith.constant 2 : i32
    %mul3A_0 = arith.muli %arg1, %mul3A : i32
    %add3A = arith.addi %mul3A_0, %arg0 : i32
    %mul3A_1 = arith.constant 512 : i32
    %mul3A_2 = arith.muli %add3A, %mul3A_1 : i32
    "tpu.region"() ({
      %run_scoped3A = tpu.sem_alloc : memref<!tpu.dma_semaphore, #tpu.memory_space<semaphore_mem>>
      %dma_start3A_23 = tpu.memref_slice %arg2[%mul3A_2] : memref<16384xi32, #tpu.memory_space<hbm>> -> memref<512xi32, #tpu.memory_space<hbm>>
      %dma_start3A_24 = tpu.memref_slice %arg2[%mul3A_2] : memref<16384xi32, #tpu.memory_space<hbm>> -> memref<512xi32, #tpu.memory_space<hbm>>
      tpu.enqueue_dma source(%dma_start3A_24 : memref<512xi32, #tpu.memory_space<hbm>>) target(%arg7 : memref<512xi32, #tpu.memory_space<vmem>>) target_semaphore(%run_scoped3A : memref<!tpu.dma_semaphore, #tpu.memory_space<semaphore_mem>>)
      %dma_wait3A_25 = tpu.memref_slice %arg2[%mul3A_2] : memref<16384xi32, #tpu.memory_space<hbm>> -> memref<512xi32, #tpu.memory_space<hbm>>
      %dma_wait3A_26 = tpu.memref_slice %arg2[%mul3A_2] : memref<16384xi32, #tpu.memory_space<hbm>> -> memref<512xi32, #tpu.memory_space<hbm>>
      tpu.wait_dma2 semaphore(%run_scoped3A : memref<!tpu.dma_semaphore, #tpu.memory_space<semaphore_mem>>) src(%dma_wait3A_26 : memref<512xi32, #tpu.memory_space<hbm>>) dst(%arg7 : memref<512xi32, #tpu.memory_space<vmem>>)
      tpu.yield
    }) : () -> ()
    %dma_start3A = arith.constant 0 : i32
    %dma_start3A_3 = tpu.memref_slice %arg3[%dma_start3A] : memref<100000xf32, #tpu.memory_space<hbm>> -> memref<100000xf32, #tpu.memory_space<hbm>>
    tpu.enqueue_indirect_dma source(%dma_start3A_3 : memref<100000xf32, #tpu.memory_space<hbm>>) target(%arg8 : memref<512xf32, #tpu.memory_space<vmem>>) offsets(%arg7 : memref<512xi32, #tpu.memory_space<vmem>>) semaphore(%arg11 : memref<!tpu.dma_semaphore, #tpu.memory_space<semaphore_mem>>)
    %dma_start3A_4 = arith.constant 0 : i32
    %dma_start3A_5 = tpu.memref_slice %arg4[%dma_start3A_4] : memref<100000xf32, #tpu.memory_space<hbm>> -> memref<100000xf32, #tpu.memory_space<hbm>>
    tpu.enqueue_indirect_dma source(%dma_start3A_5 : memref<100000xf32, #tpu.memory_space<hbm>>) target(%arg9 : memref<512xf32, #tpu.memory_space<vmem>>) offsets(%arg7 : memref<512xi32, #tpu.memory_space<vmem>>) semaphore(%arg12 : memref<!tpu.dma_semaphore, #tpu.memory_space<semaphore_mem>>)
    %dma_wait3A = arith.constant 0 : i32
    %dma_wait3A_6 = tpu.memref_slice %arg4[%dma_wait3A] : memref<100000xf32, #tpu.memory_space<hbm>> -> memref<100000xf32, #tpu.memory_space<hbm>>
    tpu.wait_indirect_dma semaphore(%arg12 : memref<!tpu.dma_semaphore, #tpu.memory_space<semaphore_mem>>) src(%dma_wait3A_6 : memref<100000xf32, #tpu.memory_space<hbm>>) dst(%arg9 : memref<512xf32, #tpu.memory_space<vmem>>)
    %dma_start3A_7 = tpu.memref_slice %arg5[%mul3A_2] : memref<16384xf32, #tpu.memory_space<hbm>> -> memref<512xf32, #tpu.memory_space<hbm>>
    %dma_start3A_8 = tpu.memref_slice %arg5[%mul3A_2] : memref<16384xf32, #tpu.memory_space<hbm>> -> memref<512xf32, #tpu.memory_space<hbm>>
    tpu.enqueue_dma source(%arg9 : memref<512xf32, #tpu.memory_space<vmem>>) target(%dma_start3A_8 : memref<512xf32, #tpu.memory_space<hbm>>) target_semaphore(%arg12 : memref<!tpu.dma_semaphore, #tpu.memory_space<semaphore_mem>>)
    %dma_wait3A_9 = arith.constant 0 : i32
    %dma_wait3A_10 = tpu.memref_slice %arg3[%dma_wait3A_9] : memref<100000xf32, #tpu.memory_space<hbm>> -> memref<100000xf32, #tpu.memory_space<hbm>>
    tpu.wait_indirect_dma semaphore(%arg11 : memref<!tpu.dma_semaphore, #tpu.memory_space<semaphore_mem>>) src(%dma_wait3A_10 : memref<100000xf32, #tpu.memory_space<hbm>>) dst(%arg8 : memref<512xf32, #tpu.memory_space<vmem>>)
    %scan3A = arith.constant 0 : i32
    %scan3A_11 = arith.constant 0 : i32
    %scan3A_12 = arith.constant 32 : i32
    %scan3A_13 = arith.addi %scan3A_11, %scan3A_12 : i32
    %scan3A_14 = arith.constant 1 : i32
    %scan3A_15 = scf.for %scan3A_23 = %scan3A_11 to %scan3A_13 step %scan3A_14 iter_args(%scan3A_24 = %scan3A) -> (i32)  : i32 {
      %mul3A_25 = arith.constant 16 : i32
      %mul3A_26 = arith.muli %scan3A_23, %mul3A_25 : i32
      %multiple_of3A = tpu.assume_multiple %mul3A_26, 16 : i32
      %get3A = arith.index_cast %multiple_of3A : i32 to index
      %get3A_27 = tpu.vector_load %arg8[%get3A] {strides = array<i32>} : memref<512xf32, #tpu.memory_space<vmem>>, vector<16xf32>,
      %get3A_28 = vector.shape_cast %get3A_27 : vector<16xf32> to vector<16xf32>
      %neg3A = arith.constant 0.000000e+00 : f32
      %neg3A_29 = vector.broadcast %neg3A : f32 to vector<16xf32>
      %neg3A_30 = arith.subf %neg3A_29, %get3A_28 : vector<16xf32>
      %exp3A = math.exp %neg3A_30 : vector<16xf32>
      %add3A_31 = arith.constant 1.000000e+00 : f32
      %add3A_32 = vector.broadcast %add3A_31 : f32 to vector<16xf32>
      %add3A_33 = arith.addf %add3A_32, %exp3A : vector<16xf32>
      %div3A = arith.constant 1.703000e+00 : f32
      %div3A_34 = vector.broadcast %div3A : f32 to vector<16xf32>
      %div3A_35 = arith.divf %div3A_34, %add3A_33 : vector<16xf32>
      %swap3A = arith.index_cast %multiple_of3A : i32 to index
      %swap3A_36 = tpu.vector_load %arg10[%swap3A] {strides = array<i32>} : memref<512xf32, #tpu.memory_space<vmem>>, vector<16xf32>,
      %swap3A_37 = vector.shape_cast %swap3A_36 : vector<16xf32> to vector<16xf32>
      %swap3A_38 = vector.shape_cast %div3A_35 : vector<16xf32> to vector<16xf32>
      tpu.vector_store %arg10[%swap3A], %swap3A_38 {strides = array<i32>} : memref<512xf32, #tpu.memory_space<vmem>>, vector<16xf32>,
      %scan3A_39 = arith.constant 0 : i32
      scf.yield %scan3A_39 : i32
    }
    %scan3A_16 = arith.constant 32 : i32
    %dma_start3A_17 = tpu.memref_slice %arg6[%mul3A_2] : memref<16384xf32, #tpu.memory_space<hbm>> -> memref<512xf32, #tpu.memory_space<hbm>>
    %dma_start3A_18 = tpu.memref_slice %arg6[%mul3A_2] : memref<16384xf32, #tpu.memory_space<hbm>> -> memref<512xf32, #tpu.memory_space<hbm>>
    tpu.enqueue_dma source(%arg10 : memref<512xf32, #tpu.memory_space<vmem>>) target(%dma_start3A_18 : memref<512xf32, #tpu.memory_space<hbm>>) target_semaphore(%arg11 : memref<!tpu.dma_semaphore, #tpu.memory_space<semaphore_mem>>)
    %dma_wait3A_19 = tpu.memref_slice %arg5[%mul3A_2] : memref<16384xf32, #tpu.memory_space<hbm>> -> memref<512xf32, #tpu.memory_space<hbm>>
    %dma_wait3A_20 = tpu.memref_slice %arg5[%mul3A_2] : memref<16384xf32, #tpu.memory_space<hbm>> -> memref<512xf32, #tpu.memory_space<hbm>>
    tpu.wait_dma2 semaphore(%arg12 : memref<!tpu.dma_semaphore, #tpu.memory_space<semaphore_mem>>) src(%arg9 : memref<512xf32, #tpu.memory_space<vmem>>) dst(%dma_wait3A_20 : memref<512xf32, #tpu.memory_space<hbm>>)
    %dma_wait3A_21 = tpu.memref_slice %arg6[%mul3A_2] : memref<16384xf32, #tpu.memory_space<hbm>> -> memref<512xf32, #tpu.memory_space<hbm>>
    %dma_wait3A_22 = tpu.memref_slice %arg6[%mul3A_2] : memref<16384xf32, #tpu.memory_space<hbm>> -> memref<512xf32, #tpu.memory_space<hbm>>
    tpu.wait_dma2 semaphore(%arg11 : memref<!tpu.dma_semaphore, #tpu.memory_space<semaphore_mem>>) src(%arg10 : memref<512xf32, #tpu.memory_space<vmem>>) dst(%dma_wait3A_22 : memref<512xf32, #tpu.memory_space<hbm>>)
    return
  }
}

</mosaic_0001>

<sc_bundles>
// kernel: kernel.4.cloned.1.call-start
scs
__scs_entry_jumppad:
0x0: {  	(pc) =	sbr.rel $0x88, $3  }
0x1: {  	(tag) =	ssettag $0x0;
	lr =	simm.s32 $0x1  }
0x2: {  	[smem:$0x3F9C] =	sst lr;
	_ =	strace $0xD0000000  }
0x3: {  	_ = 	snop  }
0x4: {  	_ = 	snop  }
0x5: {  	_ = 	snop  }
0x6: {  	_ = 	snop  }
0x7: {  	_ = 	snop  }
__scs_overlays_trampoline_lowered:
0x8: {  	[smem:$0x3FAB] =	sst s0  }
0x9: {  	[smem:$0x3FAC] =	sst s1  }
0xa: {  	[smem:$0x3FAD] =	sst s2  }
0xb: {  	[smem:$0x3FAE] =	sst s3  }
0xc: {  	[smem:$0x3FAF] =	sst s4  }
0xd: {  	[smem:$0x3FB0] =	sst s5  }
0xe: {  	[smem:$0x3FB1] =	sst s6  }
0xf: {  	[smem:$0x3FB2] =	sst s7  }
0x10: {  	[smem:$0x3FB3] =	sst s8  }
0x11: {  	[smem:$0x3FB4] =	sst s9;
	s0 =	simm.s32 @!p0 $0x0  }
0x12: {  	s1 =	sld [smem:$0x3F9A];
	s0 =	simm.s32 @p0 $0x1  }
0x13: {  	[smem:$0x3FB5] =	sst s0;
	s0 =	simm.s32 @!p1 $0x0  }
0x14: {  	s2 =	sld [smem:$0x3F99];
	s0 =	simm.s32 @p1 $0x1  }
0x15: {  	[smem:$0x3FB6] =	sst s0;
	s0 =	simm.s32 @!p2 $0x0  }
0x16: {  	s3 =	sld [smem:$0x3FDB];
	s0 =	simm.s32 @p2 $0x1  }
0x17: {  	s4 =	simm.s32 $0x1BF5;
	[smem:$0x3FB8] =	sst s0  }
0x18: {  	s0 =	sld [smem:$0x3F9B];
	_ =	swait.ge [sflag:s4], $0x0  }
0x19: {  	s7 =	sld [smem:$0x3F9C]  }
0x1a: {  	s8 =	sadd.s32 $0xFFFFE003, lr  }
0x1b: {  	s9 =	sadd.s32 $0xFFFFFEF7, lr;
	s5 =	simm.s32 $0xFFFFFFFF;
	p2 =	slt.u32 s8, $0xFFFFF086  }
0x1c: {  	p1 =	slt.u32 s9, $0xF7A;
	s5 =	simm.s32 @!p2 $0x0  }
0x1d: {  	s5 =	simm.s32 @p1 $0x1;
	p0 =	seq.s32 s7, s2  }
0x1e: {  	s7 =	smul.u32 @!p0 $0xF7A, s2;
	p2 =	seq.s32 @!p0 s5, $0x0  }
0x1f: {  	s9 =	smul.u32 $0xF7A, s1;
	s8 =	simm.s32 @!p0 $0x1BF5;
	p2 =	por !p2, p0  }
0x20: {  	[sflag:s8] =	ssyncset.s32 @!p0 $0xFFFFF086;
	s6 =	sadd.s32 @!p0 s3, s7;
	s7 =	simm.s32 @!p0 $0x108  }
0x21: {  	s3 =	sadd.s32 s3, s9;
	s6 =	sadd.s32 @!p0 $0x88, s6;
	s7 =	simm.s32 @p2 $0x1082  }
0x22: {  	[simem:s7], [sflag:s8] =	dma.local @!p0 [hbm:s6], $0xF7A  }
0x23: {  	s9 =	sor.u32 $0xD0000000, s2;
	s6 =	simm.s32 $0x108;
	_ =	swait.ge @!p0 [sflag:s8], $0x0  }
0x24: {  	s3 =	sadd.s32 $0x88, s3;
	s6 =	simm.s32 @!p1 $0x1082;
	[sflag:s4] =	ssyncset.s32 $0xFFFFF086  }
0x25: {  	[simem:s6], [sflag:s4] =	dma.local [hbm:s3], $0xF7A  }
0x26: {  	[smem:$0x3F9C] =	sst s1;
	(tag) =	ssettag s2;
	_ =	strace s9  }
0x27: {  	s1 =	sld [smem:$0x3FAC]  }
0x28: {  	s2 =	sld [smem:$0x3FAD]  }
0x29: {  	s4 =	sld [smem:$0x3FAF]  }
0x2a: {  	p0 =	seq.s32 s5, $0x0;
	s5 =	sld [smem:$0x3FB0]  }
0x2b: {  	s6 =	sld [smem:$0x3FB1]  }
0x2c: {  	s7 =	sld [smem:$0x3FB2]  }
0x2d: {  	s3 =	simm.s32 $0x108;
	s8 =	sld [smem:$0x3FB3]  }
0x2e: {  	s3 =	simm.s32 @!p0 $0x1082;
	s9 =	sld [smem:$0x3FB4]  }
0x2f: {  	lr =	sadd.s32 s0, s3;
	s0 =	sld [smem:$0x3FAB]  }
0x30: {  	s3 =	sld [smem:$0x3FAE]  }
0x31: {  	[smem:$0x3FB7] =	sst s10  }
0x32: {  	s10 =	sld [smem:$0x3FB5];
	_ =	sdelay $0x3  }
0x33: {  	p0 =	seq.s32 s10, $0x1;
	s10 =	sld [smem:$0x3FB7];
	_ =	sdelay $0x3  }
0x34: {  	[smem:$0x3FB7] =	sst s10  }
0x35: {  	s10 =	sld [smem:$0x3FB6];
	_ =	sdelay $0x3  }
0x36: {  	p1 =	seq.s32 s10, $0x1;
	s10 =	sld [smem:$0x3FB7];
	_ =	sdelay $0x3  }
0x37: {  	[smem:$0x3FB7] =	sst s10  }
0x38: {  	s10 =	sld [smem:$0x3FB8]  }
0x39: {  	_ = 	snop;
	(pc) =	sbr.ind lr, $3  }
0x3a: {  	_ = 	snop  }
0x3b: {  	_ = 	snop  }
0x3c: {  	p2 =	seq.s32 s10, $0x1;
	s10 =	sld [smem:$0x3FB7]  }
0x3d: {  	_ =	shalt  }
0x3e: {  	_ =	shalt  }
0x3f: {  	_ =	shalt  }
0x40: {  	_ =	shalt  }
0x41: {  	_ =	shalt  }
0x42: {  	_ =	shalt  }
0x43: {  	_ =	shalt  }
0x44: {  	_ =	shalt  }
0x45: {  	_ =	shalt  }
0x46: {  	_ =	shalt  }
0x47: {  	_ =	shalt  }
0x48: {  	_ =	shalt  }
0x49: {  	_ =	shalt  }
0x4a: {  	_ =	shalt  }
0x4b: {  	_ =	shalt  }
0x4c: {  	_ =	shalt  }
0x4d: {  	_ =	shalt  }
0x4e: {  	_ =	shalt  }
0x4f: {  	_ =	shalt  }
0x50: {  	_ =	shalt  }
0x51: {  	_ =	shalt  }
0x52: {  	_ =	shalt  }
0x53: {  	_ =	shalt  }
0x54: {  	_ =	shalt  }
0x55: {  	_ =	shalt  }
0x56: {  	_ =	shalt  }
0x57: {  	_ =	shalt  }
0x58: {  	_ =	shalt  }
0x59: {  	_ =	shalt  }
0x5a: {  	_ =	shalt  }
0x5b: {  	_ =	shalt  }
0x5c: {  	_ =	shalt  }
0x5d: {  	_ =	shalt  }
0x5e: {  	_ =	shalt  }
0x5f: {  	_ =	shalt  }
0x60: {  	_ =	shalt  }
0x61: {  	_ =	shalt  }
0x62: {  	_ =	shalt  }
0x63: {  	_ =	shalt  }
0x64: {  	_ =	shalt  }
0x65: {  	_ =	shalt  }
0x66: {  	_ =	shalt  }
0x67: {  	_ =	shalt  }
0x68: {  	_ =	shalt  }
0x69: {  	_ =	shalt  }
0x6a: {  	_ =	shalt  }
0x6b: {  	_ =	shalt  }
0x6c: {  	_ =	shalt  }
0x6d: {  	_ =	shalt  }
0x6e: {  	_ =	shalt  }
0x6f: {  	_ =	shalt  }
0x70: {  	_ =	shalt  }
0x71: {  	_ =	shalt  }
0x72: {  	_ =	shalt  }
0x73: {  	_ =	shalt  }
0x74: {  	_ =	shalt  }
0x75: {  	_ =	shalt  }
0x76: {  	_ =	shalt  }
0x77: {  	_ =	shalt  }
0x78: {  	_ =	shalt  }
0x79: {  	_ =	shalt  }
0x7a: {  	_ =	shalt  }
0x7b: {  	_ =	shalt  }
0x7c: {  	_ =	shalt  }
0x7d: {  	_ =	shalt  }
0x7e: {  	_ =	shalt  }
0x7f: {  	_ =	shalt  }
0x80: {  	_ =	shalt  }
0x81: {  	_ =	shalt  }
0x82: {  	_ =	shalt  }
0x83: {  	_ =	shalt  }
0x84: {  	_ =	shalt  }
0x85: {  	_ =	shalt  }
0x86: {  	_ =	shalt  }
0x87: {  	_ =	shalt  }
.Lfunc_end0:
.L_simem_size_0:
called_computation_lowered:
.L_overlay_start_0:
0x88: {  	s2 =	sld [smem:$0x3FD9]  }
0x89: {  	s3 =	sld [smem:$0x3FFE];
	_ =	sdelay $0x1  }
0x8a: {  	s1 =	srdreg.scid  }
0x8b: {  	s0 =	sand.u32 $0x1, s1  }
0x8c: {  	s14 =	sshll.u32 s0, $0xA;
	s2 =	sadd.s32 s3, s2  }
0x8d: {  	s2 =	sadd.s32 s2, s14  }
0x8e: {  	[smem:$0x3FC3] =	sst s2  }
0x8f: {  	_ = 	snop  }
0x90: {  	s2 =	sld [smem:$0x3FD0];
	_ =	sdelay $0x2  }
0x91: {  	s4 =	simm.s32 $0xA;
	s5 =	simm.s32 $0x10;
	s15 =	sld [smem:$0x3FC8]  }
0x92: {  	[smem:s5], [sflag:s4] =	dma.local [hbm:s2], $0x1  }
0x93: {  	_ =	swait.eq [sflag:s4], $0x1  }
0x94: {  	[sflag:s4] =	ssyncset.done $0x0  }
0x95: {  	[sflag:s4] =	ssyncadd.s32 $0xFFFFFFFF  }
0x96: {  	s16 =	sld [smem:$0x11];
	(tm) =	ssettm $0x1  }
0x97: {  	s17 =	sld [smem:$0x3FFB];
	_ =	sdelay $0x3  }
0x98: {  	_ =	strace s17  }
0x99: {  	s4 =	sld [smem:$0x3FFC];
	_ =	sdelay $0x3  }
0x9a: {  	_ =	strace s4  }
0x9b: {  	s4 =	sld [smem:$0x3FFD];
	_ =	sdelay $0x3  }
0x9c: {  	_ =	strace s4  }
0x9d: {  	_ =	strace $0x8FFFFFFF  }
0x9e: {  	s18 =	sld [smem:$0x3FDB];
	_ =	sdelay $0x1  }
0x9f: {  	s19 =	simm.s32 $_scs_section_size  }
0xa0: {  	s6 =	simm.s32 $_size__tile_overlayer_lowered;
	s7 =	simm.s32 $_tile_overlayer_lowered  }
0xa1: {  	s22 =	simm.s32 $0x1BFF;
	s21 =	sshll.u32 s7, $0x1;
	s4 =	sadd.s32 s19, s18  }
0xa2: {  	s8 =	simm.s32 $0x0;
	s20 =	sshll.u32 s6, $0x1;
	s6 =	sadd.s32 s21, s4  }
0xa3: {  	[timem:s8], [sflag:s22] =	dma.local [hbm:s6], s20  }
0xa4: {  	_ =	swait.ge [sflag:s22], s20  }
0xa5: {  	s5 =	ssub.s32 $0x0, s20;
	[sflag:s22] =	ssyncset.done $0x0  }
0xa6: {  	[sflag:s22] =	ssyncadd.s32 s5;
	_ =	sdelay $0x1  }
0xa7: {  	s23 =	simm.s32 $0x1B8B  }
0xa8: {  	_ =	swait.ge [sflag:s23], $0x1  }
0xa9: {  	[sflag:s23] =	ssyncset.done $0x0  }
0xaa: {  	s25 =	simm.s32 $0x1B8E;
	s24 =	sld [smem:$0x3FFE];
	[sflag:s23] =	ssyncadd.s32 $0xFFFFFFFF  }
0xab: {  	s26 =	simm.s32 $execute0_lowered;
	[smem:$0x3FD2] =	sst s25  }
0xac: {  	s6 =	sshll.u32 s26, $0x1;
	_ =	strace $0x80000046;
	[dreg:$0x1] =	wrdreg $0xFFFFFFFF  }
0xad: {  	s28 =	simm.s32 $_size_execute0_lowered;
	s4 =	sadd.s32 s4, s6;
	[dreg:$0x0] =	wrdreg $0x0  }
0xae: {  	s6 =	sshll.u32 s28, $0x1;
	[dreg:$0x2] =	wrdreg s4  }
0xaf: {  	[dreg:$0x3] =	wrdreg s6  }
0xb0: {  	[dreg:$0x4] =	wrdreg $0xC0  }
0xb1: {  	_ =	task [dreg:s8], $0x5FFFF  }
0xb2: {  	[dreg:$0x1] =	wrdreg $0xFFFFFFFF  }
0xb3: {  	[dreg:$0x0] =	wrdreg $0x60  }
0xb4: {  	[dreg:$0x2] =	wrdreg s15  }
0xb5: {  	[dreg:$0x3] =	wrdreg s24  }
0xb6: {  	[dreg:$0x4] =	wrdreg s16  }
0xb7: {  	[dreg:$0x5] =	wrdreg $0x9  }
0xb8: {  	_ =	task.clear_ibuf [dreg:s8], $0x6FFFF;
	_ =	strace $0x90000046  }
0xb9: {  	s29 =	simm.s32 $0x9;
	_ =	strace $0x80000048  }
0xba: {  	_ =	swait.ge [sflag:s29], $0x1  }
0xbb: {  	[sflag:s29] =	ssyncadd.s32 $0xFFFFFFFF  }
0xbc: {  	_ =	strace $0x90000048  }
0xbd: {  	_ =	sfence  }
0xbe: {  	s30 =	sld [smem:$0x0];
	_ =	sdelay $0x2  }
0xbf: {  	s31 =	sshll.u32 s1, $0xD;
	s1 =	sshrl.u32 s1, $0x2  }
0xc0: {  	s3 =	sand.u32 $0x4000, s31;
	s1 =	sadd.s32 s1, s30  }
0xc1: {  	s0 =	sor.u32 s3, s0;
	s1 =	sshll.u32 s1, $0x11  }
0xc2: {  	s0 =	sor.u32 s1, s0  }
0xc3: {  	s0 =	sadd.s32 $0x8F2B, s0  }
0xc4: {  	[sflag:s0] =	ssyncadd.remote.s32 $0x1  }
0xc5: {  	_ =	sfence.sel $0xFFFF  }
0xc6: {  	[dreg:$0x0] =	wrdreg $0xFFFFFFFF;
	(pc) =	sbr.abs _section_cstart, $3  }
0xc7: {  	[dreg:$0x1] =	wrdreg $0xFFFFFFFF  }
0xc8: {  	_ =	task.clear_ibuf [dreg:s8], $0x2FFFF;
	_ =	strace $0x9FFFFFFF  }
0xc9: {  	(tm) =	ssettm $0x7FFFFFFF  }
tec
execute0_lowered:
.L_overlay_start_1:
0x0: {  	(tag) =	ssettag $0x1  }
0x1: {  	s5 =	rddreg [dreg:$0x0]  }
0x2: {  	s6 =	rddreg [dreg:$0x1]  }
0x3: {  	s7 =	rddreg [dreg:$0x2]  }
0x4: {  	s0 =	rddreg [dreg:$0x3];
	s2 =	simm.s32 $0x0;
	s3 =	srdreg.scid  }
0x5: {  	s1 =	stileid.u32;
	s11 =	simm.s32 $0x400;
	s12 =	simm.s32 $0x2  }
0x6: {  	s13 =	simm.s32 $0x1;
	s14 =	simm.s32 $0x600;
	s15 =	simm.s32 $0x0  }
0x7: {  	[smem:$0x7FF] =	sst s2;
	s4 =	sand.u32 $0x1, s3;
	s8 =	sshll.u32 s1, $0x7  }
0x8: {  	s3 =	sadd.s32 $0x200, s6;
	s9 =	sshll.u32 s4, $0x6;
	s30 =	ssub.s32 $0x2, s4  }
0x9: {  	_ =	strace $0x80000047;
	s8 =	sor.u32 s9, s8;
	s31 =	sshrl.u32 s30, $0x1  }
0xa: {  	s4 =	sadd.s32 $0x3400, s6;
	s10 =	sadd.s32 s8, s6;
	s9 =	ssub.s32 s30, s31  }
0xb: {  	s5 =	sadd.s32 s5, s8;
	s6 =	sadd.s32 s7, s8;
	s7 =	sadd.s32 $0x6600, s10  }
0xc: {  	s8 =	smax.u32 s9, $0x1;
	s9 =	simm.s32 $0x3;
	s10 =	simm.s32 $0x200  }
.LBB2_1:
0xd: {  	[tilespmem:s2], [sflag:$0x3] =	stream.linear.gather [hbm4b:s5+s2], $0x200, $0x38;
	[tilespmem:$0x800] =	vst v63  }
0xe: {  	_ =	swait.ge [sflag:s9], $0x200  }
0xf: {  	[sflag:s9] =	ssyncset.done $0x0  }
0x10: {  	[sflag:s9] =	ssyncadd.s32 $0xFFFFFE00  }
0x11: {  	[tilespmem:s10], [sflag:$0x1] =	stream.indirect.gather [hbm4b:s3+s10], $0x1, s2, s10, $0xb8;
	[tilespmem:$0x800] =	vst v63  }
0x12: {  	_ = 	snop  }
0x13: {  	[tilespmem:s11], [sflag:$0x2] =	stream.indirect.gather [hbm4b:s4+s10], $0x1, s2, s10, $0xb8;
	[tilespmem:$0x800] =	vst v63  }
0x14: {  	_ =	swait.ge [sflag:s12], $0x200  }
0x15: {  	[sflag:s12] =	ssyncset.done $0x0  }
0x16: {  	[sflag:s12] =	ssyncadd.s32 $0xFFFFFE00  }
0x17: {  	[hbm4b:s6+s2] =	stream.linear.scatter [tilespmem:s11], [sflag:$0x2], $0x200, $0x38;
	[tilespmem:$0x800] =	vst v63  }
0x18: {  	_ =	swait.ge [sflag:s13], $0x200  }
0x19: {  	[sflag:s13] =	ssyncset.done $0x0  }
0x1a: {  	s17 =	simm.s32 $0x0;
	[sflag:s13] =	ssyncadd.s32 $0xFFFFFE00  }
0x1b: {  	v0 =	vld [tilespmem:s17+$0x200];
	_ =	sdelay $0x1  }
0x1c: {  	s16 =	simm.s32 $0x10  }
0x1d: {  	v1 =	vld [tilespmem:s16+$0x200];
	_ =	sdelay $0x1  }
0x1e: {  	v0 =	vsub.f32 $0.0e+00, v0;
	_ =	sdelay $0x1  }
0x1f: {  	v0 =	vmul.f32 $1.442695020e+00, v0  }
0x20: {  	v1 =	vsub.f32 $0.0e+00, v1  }
0x21: {  	s18 =	simm.s32 $0x20;
	(erf) = vpow2.f32 v0  }
0x22: {  	v0 =	vmul.f32 $1.442695020e+00, v1;
	v1 =	vld [tilespmem:s18+$0x200];
	_ =	sdelay $0x1  }
0x23: {  	(erf) = vpow2.f32 v0  }
0x24: {  	s19 =	simm.s32 $0x30  }
0x25: {  	v0 =	vld [tilespmem:s19+$0x200]  }
0x26: {  	v1 =	vsub.f32 $0.0e+00, v1;
	_ =	sdelay $0x1  }
0x27: {  	v1 =	vmul.f32 $1.442695020e+00, v1  }
0x28: {  	v2 =	vpop (erf)  }
0x29: {  	v0 =	vsub.f32 $0.0e+00, v0;
	v2 =	vadd.f32 $1.000000000e+00, v2  }
0x2a: {  	(erf) = vpow2.f32 v1  }
0x2b: {  	v0 =	vmul.f32 $1.442695020e+00, v0;
	v1 =	vpop (erf);
	(erf) = vrcp.f32 v2  }
0x2c: {  	s20 =	simm.s32 $0x40;
	v1 =	vadd.f32 $1.000000000e+00, v1  }
0x2d: {  	(erf) = vpow2.f32 v0;
	v0 =	vld [tilespmem:s20+$0x200]  }
0x2e: {  	(erf) = vrcp.f32 v1;
	_ =	sdelay $0x1  }
0x2f: {  	s21 =	simm.s32 $0x140  }
.LBB2_2:
0x30: {  	s22 =	smov.u32 s19  }
0x31: {  	v1 =	vsub.f32 $0.0e+00, v0;
	s19 =	smov.u32 s20;
	s20 =	sshra.s32 s21, $0x2;
	p0 =	sne.s32 s21, $0x7C0  }
.Ltmp0:
0x32: {  	s21 =	sadd.s32 $0x40, s21;
	v0 =	vld [tilespmem:s20+$0x200];
	v2 =	vpop (erf);
	(pc) =	sbr.rel @p0 .LBB2_2-.Ltmp0, $4  }
0x33: {  	v1 =	vmul.f32 $1.442695020e+00, v1;
	v3 =	vpop (erf)  }
0x34: {  	v2 =	vadd.f32 $1.000000000e+00, v2;
	v3 =	vmul.f32 $1.702999950e+00, v3  }
0x35: {  	(erf) = vpow2.f32 v1  }
0x36: {  	(erf) = vrcp.f32 v2;
	[tilespmem:s17+$0x600] =	vst v3;
	s17 =	smov.u32 s16;
	s16 =	smov.u32 s18;
	s18 =	smov.u32 s22  }
0x37: {  	v0 =	vsub.f32 $0.0e+00, v0;
	_ =	sdelay $0x1  }
0x38: {  	v0 =	vmul.f32 $1.442695020e+00, v0;
	_ =	sdelay $0x1  }
0x39: {  	(erf) = vpow2.f32 v0;
	_ =	sdelay $0x4  }
0x3a: {  	v54 =	vpop (erf)  }
0x3b: {  	v1 =	vpop (erf)  }
0x3c: {  	v2 =	vpop (erf)  }
0x3d: {  	v0 =	vadd.f32 $1.000000000e+00, v54;
	v3 =	vpop (erf)  }
0x3e: {  	v2 =	vadd.f32 $1.000000000e+00, v2;
	v4 =	vpop (erf)  }
0x3f: {  	(erf) = vrcp.f32 v0;
	v55 =	vadd.f32 $1.000000000e+00, v4  }
0x40: {  	(erf) = vrcp.f32 v2  }
0x41: {  	(erf) = vrcp.f32 v55;
	_ =	sdelay $0x5  }
0x42: {  	v56 =	vmul.f32 $1.702999950e+00, v1  }
0x43: {  	v57 =	vmul.f32 $1.702999950e+00, v3;
	v58 =	vpop (erf)  }
0x44: {  	[tilespmem:s17+$0x600] =	vst v56;
	v59 =	vmul.f32 $1.702999950e+00, v58;
	v60 =	vpop (erf)  }
0x45: {  	[tilespmem:s16+$0x600] =	vst v57;
	v61 =	vmul.f32 $1.702999950e+00, v60;
	v62 =	vpop (erf)  }
0x46: {  	[tilespmem:s18+$0x600] =	vst v59;
	v63 =	vmul.f32 $1.702999950e+00, v62  }
0x47: {  	[tilespmem:s19+$0x600] =	vst v61  }
0x48: {  	s15 =	sadd.s32 $0x1, s15;
	[tilespmem:s20+$0x600] =	vst v63  }
0x49: {  	[hbm4b:s7+s2] =	stream.linear.scatter [tilespmem:s14], [sflag:$0x1], $0x200, $0x38;
	[tilespmem:$0x800] =	vst v63  }
0x4a: {  	p0 =	sne.s32 s15, s8;
	_ =	swait.ge [sflag:s12], $0x200  }
.Ltmp1:
0x4b: {  	[sflag:s12] =	ssyncset.done $0x0;
	(pc) =	sbr.rel @p0 .LBB2_1-.Ltmp1, $4  }
0x4c: {  	[sflag:s12] =	ssyncadd.s32 $0xFFFFFE00  }
0x4d: {  	_ =	swait.ge [sflag:s13], $0x200  }
0x4e: {  	[sflag:s13] =	ssyncset.done $0x0  }
0x4f: {  	[sflag:s13] =	ssyncadd.s32 $0xFFFFFE00  }
0x50: {  	_ =	sfence.sel $0x180000  }
0x51: {  	[bflag:$0x0] =	sbarrier.arrive $0xFFFF  }
0x52: {  	p0 =	sne.s32 s1, $0x0;
	_ =	strace $0x90000047  }
0x53: {  	s0 =	sadd.s32 @!p0 $0x100000, s0;
	[bflag:$0x2] =	sbarrier.arrive $0xFFFF  }
0x54: {  	[sflag:s0] =	ssyncadd.tile.s32 @!p0 $0x1;
	_ =	shalt  }
.Lfunc_end2:
_tile_overlayer_lowered:
.L_overlay_start_2:
0x55: {  	(tag) =	ssettag $0x2  }
0x56: {  	s0 =	rddreg [dreg:$0x0];
	s2 =	stileid.u32  }
0x57: {  	s1 =	rddreg [dreg:$0x1];
	p0 =	sne.s32 s2, $0x0  }
0x58: {  	s3 =	rddreg [dreg:$0x2];
	[bflag:$0x3] =	sbarrier.arrive $0xFFFF;
	s2 =	simm.s32 @!p0 $0x1C03  }
0x59: {  	[timem:s3], [sflag:s2] =	dma.local @!p0 [hbm:s0], s1  }
0x5a: {  	s0 =	simm.s32 @!p0 $0x3  }
0x5b: {  	_ =	swait.ge @!p0 [sflag:s0], s1  }
0x5c: {  	s1 =	ssub.s32 @!p0 $0x0, s1;
	[sflag:s0] =	ssyncset.done @!p0 $0x0  }
0x5d: {  	[sflag:s0] =	ssyncadd.s32 @!p0 s1  }
0x5e: {  	[bflag:$0x3] =	sbarrier.arrive $0xFFFF  }
0x5f: {  	_ =	shalt  }

// kernel: kernel.7.cloned.1.call-start
scs
__scs_entry_jumppad:
0x0: {  	(pc) =	sbr.rel $0x88, $3  }
0x1: {  	(tag) =	ssettag $0x0;
	lr =	simm.s32 $0x1  }
0x2: {  	[smem:$0x3F9C] =	sst lr;
	_ =	strace $0xD0000000  }
0x3: {  	_ = 	snop  }
0x4: {  	_ = 	snop  }
0x5: {  	_ = 	snop  }
0x6: {  	_ = 	snop  }
0x7: {  	_ = 	snop  }
__scs_overlays_trampoline_lowered:
0x8: {  	[smem:$0x3FAB] =	sst s0  }
0x9: {  	[smem:$0x3FAC] =	sst s1  }
0xa: {  	[smem:$0x3FAD] =	sst s2  }
0xb: {  	[smem:$0x3FAE] =	sst s3  }
0xc: {  	[smem:$0x3FAF] =	sst s4  }
0xd: {  	[smem:$0x3FB0] =	sst s5  }
0xe: {  	[smem:$0x3FB1] =	sst s6  }
0xf: {  	[smem:$0x3FB2] =	sst s7  }
0x10: {  	[smem:$0x3FB3] =	sst s8  }
0x11: {  	[smem:$0x3FB4] =	sst s9;
	s0 =	simm.s32 @!p0 $0x0  }
0x12: {  	s1 =	sld [smem:$0x3F9A];
	s0 =	simm.s32 @p0 $0x1  }
0x13: {  	[smem:$0x3FB5] =	sst s0;
	s0 =	simm.s32 @!p1 $0x0  }
0x14: {  	s2 =	sld [smem:$0x3F99];
	s0 =	simm.s32 @p1 $0x1  }
0x15: {  	[smem:$0x3FB6] =	sst s0;
	s0 =	simm.s32 @!p2 $0x0  }
0x16: {  	s3 =	sld [smem:$0x3FDB];
	s0 =	simm.s32 @p2 $0x1  }
0x17: {  	s4 =	simm.s32 $0x1BF5;
	[smem:$0x3FB8] =	sst s0  }
0x18: {  	s0 =	sld [smem:$0x3F9B];
	_ =	swait.ge [sflag:s4], $0x0  }
0x19: {  	s7 =	sld [smem:$0x3F9C]  }
0x1a: {  	s8 =	sadd.s32 $0xFFFFE003, lr  }
0x1b: {  	s9 =	sadd.s32 $0xFFFFFEF7, lr;
	s5 =	simm.s32 $0xFFFFFFFF;
	p2 =	slt.u32 s8, $0xFFFFF086  }
0x1c: {  	p1 =	slt.u32 s9, $0xF7A;
	s5 =	simm.s32 @!p2 $0x0  }
0x1d: {  	s5 =	simm.s32 @p1 $0x1;
	p0 =	seq.s32 s7, s2  }
0x1e: {  	s7 =	smul.u32 @!p0 $0xF7A, s2;
	p2 =	seq.s32 @!p0 s5, $0x0  }
0x1f: {  	s9 =	smul.u32 $0xF7A, s1;
	s8 =	simm.s32 @!p0 $0x1BF5;
	p2 =	por !p2, p0  }
0x20: {  	[sflag:s8] =	ssyncset.s32 @!p0 $0xFFFFF086;
	s6 =	sadd.s32 @!p0 s3, s7;
	s7 =	simm.s32 @!p0 $0x108  }
0x21: {  	s3 =	sadd.s32 s3, s9;
	s6 =	sadd.s32 @!p0 $0x88, s6;
	s7 =	simm.s32 @p2 $0x1082  }
0x22: {  	[simem:s7], [sflag:s8] =	dma.local @!p0 [hbm:s6], $0xF7A  }
0x23: {  	s9 =	sor.u32 $0xD0000000, s2;
	s6 =	simm.s32 $0x108;
	_ =	swait.ge @!p0 [sflag:s8], $0x0  }
0x24: {  	s3 =	sadd.s32 $0x88, s3;
	s6 =	simm.s32 @!p1 $0x1082;
	[sflag:s4] =	ssyncset.s32 $0xFFFFF086  }
0x25: {  	[simem:s6], [sflag:s4] =	dma.local [hbm:s3], $0xF7A  }
0x26: {  	[smem:$0x3F9C] =	sst s1;
	(tag) =	ssettag s2;
	_ =	strace s9  }
0x27: {  	s1 =	sld [smem:$0x3FAC]  }
0x28: {  	s2 =	sld [smem:$0x3FAD]  }
0x29: {  	s4 =	sld [smem:$0x3FAF]  }
0x2a: {  	p0 =	seq.s32 s5, $0x0;
	s5 =	sld [smem:$0x3FB0]  }
0x2b: {  	s6 =	sld [smem:$0x3FB1]  }
0x2c: {  	s7 =	sld [smem:$0x3FB2]  }
0x2d: {  	s3 =	simm.s32 $0x108;
	s8 =	sld [smem:$0x3FB3]  }
0x2e: {  	s3 =	simm.s32 @!p0 $0x1082;
	s9 =	sld [smem:$0x3FB4]  }
0x2f: {  	lr =	sadd.s32 s0, s3;
	s0 =	sld [smem:$0x3FAB]  }
0x30: {  	s3 =	sld [smem:$0x3FAE]  }
0x31: {  	[smem:$0x3FB7] =	sst s10  }
0x32: {  	s10 =	sld [smem:$0x3FB5];
	_ =	sdelay $0x3  }
0x33: {  	p0 =	seq.s32 s10, $0x1;
	s10 =	sld [smem:$0x3FB7];
	_ =	sdelay $0x3  }
0x34: {  	[smem:$0x3FB7] =	sst s10  }
0x35: {  	s10 =	sld [smem:$0x3FB6];
	_ =	sdelay $0x3  }
0x36: {  	p1 =	seq.s32 s10, $0x1;
	s10 =	sld [smem:$0x3FB7];
	_ =	sdelay $0x3  }
0x37: {  	[smem:$0x3FB7] =	sst s10  }
0x38: {  	s10 =	sld [smem:$0x3FB8]  }
0x39: {  	_ = 	snop;
	(pc) =	sbr.ind lr, $3  }
0x3a: {  	_ = 	snop  }
0x3b: {  	_ = 	snop  }
0x3c: {  	p2 =	seq.s32 s10, $0x1;
	s10 =	sld [smem:$0x3FB7]  }
0x3d: {  	_ =	shalt  }
0x3e: {  	_ =	shalt  }
0x3f: {  	_ =	shalt  }
0x40: {  	_ =	shalt  }
0x41: {  	_ =	shalt  }
0x42: {  	_ =	shalt  }
0x43: {  	_ =	shalt  }
0x44: {  	_ =	shalt  }
0x45: {  	_ =	shalt  }
0x46: {  	_ =	shalt  }
0x47: {  	_ =	shalt  }
0x48: {  	_ =	shalt  }
0x49: {  	_ =	shalt  }
0x4a: {  	_ =	shalt  }
0x4b: {  	_ =	shalt  }
0x4c: {  	_ =	shalt  }
0x4d: {  	_ =	shalt  }
0x4e: {  	_ =	shalt  }
0x4f: {  	_ =	shalt  }
0x50: {  	_ =	shalt  }
0x51: {  	_ =	shalt  }
0x52: {  	_ =	shalt  }
0x53: {  	_ =	shalt  }
0x54: {  	_ =	shalt  }
0x55: {  	_ =	shalt  }
0x56: {  	_ =	shalt  }
0x57: {  	_ =	shalt  }
0x58: {  	_ =	shalt  }
0x59: {  	_ =	shalt  }
0x5a: {  	_ =	shalt  }
0x5b: {  	_ =	shalt  }
0x5c: {  	_ =	shalt  }
0x5d: {  	_ =	shalt  }
0x5e: {  	_ =	shalt  }
0x5f: {  	_ =	shalt  }
0x60: {  	_ =	shalt  }
0x61: {  	_ =	shalt  }
0x62: {  	_ =	shalt  }
0x63: {  	_ =	shalt  }
0x64: {  	_ =	shalt  }
0x65: {  	_ =	shalt  }
0x66: {  	_ =	shalt  }
0x67: {  	_ =	shalt  }
0x68: {  	_ =	shalt  }
0x69: {  	_ =	shalt  }
0x6a: {  	_ =	shalt  }
0x6b: {  	_ =	shalt  }
0x6c: {  	_ =	shalt  }
0x6d: {  	_ =	shalt  }
0x6e: {  	_ =	shalt  }
0x6f: {  	_ =	shalt  }
0x70: {  	_ =	shalt  }
0x71: {  	_ =	shalt  }
0x72: {  	_ =	shalt  }
0x73: {  	_ =	shalt  }
0x74: {  	_ =	shalt  }
0x75: {  	_ =	shalt  }
0x76: {  	_ =	shalt  }
0x77: {  	_ =	shalt  }
0x78: {  	_ =	shalt  }
0x79: {  	_ =	shalt  }
0x7a: {  	_ =	shalt  }
0x7b: {  	_ =	shalt  }
0x7c: {  	_ =	shalt  }
0x7d: {  	_ =	shalt  }
0x7e: {  	_ =	shalt  }
0x7f: {  	_ =	shalt  }
0x80: {  	_ =	shalt  }
0x81: {  	_ =	shalt  }
0x82: {  	_ =	shalt  }
0x83: {  	_ =	shalt  }
0x84: {  	_ =	shalt  }
0x85: {  	_ =	shalt  }
0x86: {  	_ =	shalt  }
0x87: {  	_ =	shalt  }
.Lfunc_end0:
.L_simem_size_0:
called_computation.1_lowered:
.L_overlay_start_0:
0x88: {  	s2 =	sld [smem:$0x3FD9]  }
0x89: {  	s3 =	sld [smem:$0x3FFE];
	_ =	sdelay $0x1  }
0x8a: {  	s1 =	srdreg.scid  }
0x8b: {  	s0 =	sand.u32 $0x1, s1  }
0x8c: {  	s14 =	sshll.u32 s0, $0xA;
	s2 =	sadd.s32 s3, s2  }
0x8d: {  	s2 =	sadd.s32 s2, s14  }
0x8e: {  	[smem:$0x3FC3] =	sst s2  }
0x8f: {  	_ = 	snop  }
0x90: {  	s2 =	sld [smem:$0x3FD0];
	_ =	sdelay $0x2  }
0x91: {  	s4 =	simm.s32 $0xA;
	s5 =	simm.s32 $0x10;
	s15 =	sld [smem:$0x3FC9]  }
0x92: {  	[smem:s5], [sflag:s4] =	dma.local [hbm:s2], $0x1  }
0x93: {  	_ =	swait.eq [sflag:s4], $0x1  }
0x94: {  	s16 =	sld [smem:$0x10];
	[sflag:s4] =	ssyncset.done $0x0  }
0x95: {  	s17 =	sld [smem:$0x11];
	[sflag:s4] =	ssyncadd.s32 $0xFFFFFFFF  }
0x96: {  	s18 =	sld [smem:$0x12];
	(tm) =	ssettm $0x1  }
0x97: {  	s6 =	sld [smem:$0x3FFB];
	_ =	sdelay $0x3  }
0x98: {  	_ =	strace s6  }
0x99: {  	s6 =	sld [smem:$0x3FFC];
	_ =	sdelay $0x3  }
0x9a: {  	_ =	strace s6  }
0x9b: {  	s6 =	sld [smem:$0x3FFD];
	_ =	sdelay $0x3  }
0x9c: {  	_ =	strace s6  }
0x9d: {  	_ =	strace $0x8FFFFFFF  }
0x9e: {  	s19 =	sld [smem:$0x3FDB];
	_ =	sdelay $0x1  }
0x9f: {  	s7 =	simm.s32 $_scs_section_size  }
0xa0: {  	s8 =	simm.s32 $_size__tile_overlayer_lowered;
	s9 =	simm.s32 $_tile_overlayer_lowered  }
0xa1: {  	s22 =	simm.s32 $0x1BFF;
	s21 =	sshll.u32 s9, $0x1;
	s6 =	sadd.s32 s7, s19  }
0xa2: {  	s10 =	simm.s32 $0x0;
	s20 =	sshll.u32 s8, $0x1;
	s8 =	sadd.s32 s21, s6  }
0xa3: {  	[timem:s10], [sflag:s22] =	dma.local [hbm:s8], s20  }
0xa4: {  	_ =	swait.ge [sflag:s22], s20  }
0xa5: {  	s7 =	ssub.s32 $0x0, s20;
	[sflag:s22] =	ssyncset.done $0x0  }
0xa6: {  	[sflag:s22] =	ssyncadd.s32 s7;
	_ =	sdelay $0x1  }
0xa7: {  	s23 =	simm.s32 $0x1B8B  }
0xa8: {  	_ =	swait.ge [sflag:s23], $0x1  }
0xa9: {  	[sflag:s23] =	ssyncset.done $0x0  }
0xaa: {  	s25 =	simm.s32 $0x1B8E;
	s24 =	sld [smem:$0x3FFE];
	[sflag:s23] =	ssyncadd.s32 $0xFFFFFFFF  }
0xab: {  	s26 =	simm.s32 $execute0_lowered;
	[smem:$0x3FD2] =	sst s25  }
0xac: {  	s8 =	sshll.u32 s26, $0x1;
	_ =	strace $0x80000049;
	[dreg:$0x1] =	wrdreg $0xFFFFFFFF  }
0xad: {  	s28 =	simm.s32 $_size_execute0_lowered;
	s6 =	sadd.s32 s6, s8;
	[dreg:$0x0] =	wrdreg $0x0  }
0xae: {  	s8 =	sshll.u32 s28, $0x1;
	[dreg:$0x2] =	wrdreg s6  }
0xaf: {  	[dreg:$0x3] =	wrdreg s8  }
0xb0: {  	[dreg:$0x4] =	wrdreg $0xC0  }
0xb1: {  	_ =	task [dreg:s10], $0x5FFFF  }
0xb2: {  	[dreg:$0x1] =	wrdreg $0xFFFFFFFF  }
0xb3: {  	[dreg:$0x0] =	wrdreg $0x60  }
0xb4: {  	[dreg:$0x2] =	wrdreg s15  }
0xb5: {  	[dreg:$0x3] =	wrdreg s24  }
0xb6: {  	[dreg:$0x4] =	wrdreg s17  }
0xb7: {  	[dreg:$0x5] =	wrdreg s16  }
0xb8: {  	[dreg:$0x6] =	wrdreg s18  }
0xb9: {  	[dreg:$0x7] =	wrdreg $0x9  }
0xba: {  	_ =	task.clear_ibuf [dreg:s10], $0x8FFFF;
	_ =	strace $0x90000049  }
0xbb: {  	s29 =	simm.s32 $0x9;
	_ =	strace $0x8000004B  }
0xbc: {  	_ =	swait.ge [sflag:s29], $0x1  }
0xbd: {  	[sflag:s29] =	ssyncadd.s32 $0xFFFFFFFF  }
0xbe: {  	_ =	strace $0x9000004B  }
0xbf: {  	_ =	sfence  }
0xc0: {  	s30 =	sld [smem:$0x0];
	_ =	sdelay $0x2  }
0xc1: {  	s31 =	sshll.u32 s1, $0xD;
	s1 =	sshrl.u32 s1, $0x2  }
0xc2: {  	s3 =	sand.u32 $0x4000, s31;
	s1 =	sadd.s32 s1, s30  }
0xc3: {  	s0 =	sor.u32 s3, s0;
	s1 =	sshll.u32 s1, $0x11  }
0xc4: {  	s0 =	sor.u32 s1, s0  }
0xc5: {  	s0 =	sadd.s32 $0x8F2B, s0  }
0xc6: {  	[sflag:s0] =	ssyncadd.remote.s32 $0x1  }
0xc7: {  	_ =	sfence.sel $0xFFFF  }
0xc8: {  	[dreg:$0x0] =	wrdreg $0xFFFFFFFF;
	(pc) =	sbr.abs _section_cstart, $3  }
0xc9: {  	[dreg:$0x1] =	wrdreg $0xFFFFFFFF  }
0xca: {  	_ =	task.clear_ibuf [dreg:s10], $0x2FFFF;
	_ =	strace $0x9FFFFFFF  }
0xcb: {  	(tm) =	ssettm $0x7FFFFFFF  }
tec
execute0_lowered:
.L_overlay_start_1:
0x0: {  	(tag) =	ssettag $0x1  }
0x1: {  	s4 =	rddreg [dreg:$0x0]  }
0x2: {  	s5 =	rddreg [dreg:$0x1]  }
0x3: {  	s6 =	rddreg [dreg:$0x2]  }
0x4: {  	s8 =	rddreg [dreg:$0x3]  }
0x5: {  	s7 =	rddreg [dreg:$0x4]  }
0x6: {  	s0 =	rddreg [dreg:$0x5];
	s3 =	srdreg.scid  }
0x7: {  	s2 =	simm.s32 $0x0;
	s1 =	stileid.u32;
	s12 =	simm.s32 $0x1  }
0x8: {  	s13 =	simm.s32 $0x200;
	s14 =	simm.s32 $0x2;
	s15 =	simm.s32 $0x3  }
0x9: {  	s16 =	simm.s32 $0x800;
	s17 =	simm.s32 $0x0;
	s3 =	sand.u32 $0x1, s3  }
0xa: {  	[smem:$0x7FF] =	sst s2;
	s9 =	sshll.u32 s1, $0x7;
	s10 =	sshll.u32 s3, $0x6  }
0xb: {  	_ =	strace $0x8000004A;
	s31 =	ssub.s32 $0x2, s3;
	s9 =	sor.u32 s10, s9  }
0xc: {  	s3 =	sadd.s32 $0x6E00, s5;
	s11 =	sshrl.u32 s31, $0x1;
	s5 =	sadd.s32 s9, s5  }
0xd: {  	s10 =	ssub.s32 s31, s11;
	s4 =	sadd.s32 s4, s9;
	s6 =	sadd.s32 s6, s9  }
0xe: {  	s7 =	sadd.s32 s7, s9;
	s8 =	sadd.s32 s8, s9;
	s11 =	simm.s32 $0x600  }
0xf: {  	s5 =	sadd.s32 $0x6600, s5;
	s9 =	smax.u32 s10, $0x1;
	s10 =	simm.s32 $0x400  }
.LBB2_1:
0x10: {  	[tilespmem:s2], [sflag:$0x1] =	stream.linear.gather [hbm4b:s4+s2], $0x200, $0x38;
	[tilespmem:$0xA00] =	vst v63  }
0x11: {  	_ = 	snop  }
0x12: {  	[tilespmem:s10], [sflag:$0x2] =	stream.linear.gather [hbm4b:s5+s2], $0x200, $0x38;
	[tilespmem:$0xA00] =	vst v63  }
0x13: {  	_ = 	snop  }
0x14: {  	[tilespmem:s11], [sflag:$0x3] =	stream.linear.gather [hbm4b:s6+s2], $0x200, $0x38;
	[tilespmem:$0xA00] =	vst v63  }
0x15: {  	_ =	swait.ge [sflag:s12], $0x200  }
0x16: {  	[sflag:s12] =	ssyncset.done $0x0  }
0x17: {  	[sflag:s12] =	ssyncadd.s32 $0xFFFFFE00  }
0x18: {  	[tilespmem:s13], [sflag:$0x1] =	stream.indirect.gather [hbm4b:s3+s13], $0x1, s2, s13, $0xb8;
	[tilespmem:$0xA00] =	vst v63  }
0x19: {  	_ =	swait.ge [sflag:s12], $0x200  }
0x1a: {  	[sflag:s12] =	ssyncset.done $0x0  }
0x1b: {  	[sflag:s12] =	ssyncadd.s32 $0xFFFFFE00  }
0x1c: {  	[hbm4b:s7+s2] =	stream.linear.scatter [tilespmem:s13], [sflag:$0x1], $0x200, $0x38;
	[tilespmem:$0xA00] =	vst v63  }
0x1d: {  	_ =	swait.ge [sflag:s14], $0x200  }
0x1e: {  	[sflag:s14] =	ssyncset.done $0x0  }
0x1f: {  	[sflag:s14] =	ssyncadd.s32 $0xFFFFFE00  }
0x20: {  	_ =	swait.ge [sflag:s15], $0x200  }
0x21: {  	[sflag:s15] =	ssyncset.done $0x0  }
0x22: {  	s18 =	simm.s32 $0x0;
	[sflag:s15] =	ssyncadd.s32 $0xFFFFFE00  }
0x23: {  	v0 =	vld [tilespmem:s18+$0x200]  }
0x24: {  	v1 =	vld [tilespmem:s18+$0x400]  }
0x25: {  	s19 =	simm.s32 $0x10;
	v2 =	vld [tilespmem:s18+$0x600]  }
0x26: {  	v3 =	vld [tilespmem:s19+$0x200]  }
0x27: {  	v4 =	vld [tilespmem:s19+$0x400]  }
0x28: {  	v5 =	vld [tilespmem:s19+$0x600]  }
0x29: {  	s20 =	simm.s32 $0x20  }
0x2a: {  	v6 =	vld [tilespmem:s20+$0x200];
	v1 =	vsub.f32 $0.0e+00, v1;
	v0 =	vsub.f32 v0, v2  }
0x2b: {  	v7 =	vld [tilespmem:s20+$0x400]  }
0x2c: {  	v2 =	vld [tilespmem:s20+$0x600];
	v0 =	vmul.f32 v0, v1  }
0x2d: {  	v3 =	vsub.f32 v3, v5;
	v4 =	vsub.f32 $0.0e+00, v4  }
0x2e: {  	v0 =	vmul.f32 $1.442695020e+00, v0  }
0x2f: {  	v1 =	vmul.f32 v3, v4  }
0x30: {  	s21 =	simm.s32 $0x30;
	(erf) = vpow2.f32 v0  }
0x31: {  	v3 =	vsub.f32 $0.0e+00, v7;
	v4 =	vld [tilespmem:s21+$0x400];
	v1 =	vmul.f32 $1.442695020e+00, v1;
	v2 =	vsub.f32 v6, v2  }
0x32: {  	v0 =	vld [tilespmem:s21+$0x200]  }
0x33: {  	(erf) = vpow2.f32 v1;
	v1 =	vmul.f32 v2, v3;
	v2 =	vld [tilespmem:s21+$0x600];
	_ =	sdelay $0x4  }
0x34: {  	v4 =	vsub.f32 $0.0e+00, v4;
	v0 =	vsub.f32 v0, v2  }
0x35: {  	s22 =	simm.s32 $0x40;
	v1 =	vmul.f32 $1.442695020e+00, v1;
	v5 =	vpop (erf)  }
0x36: {  	v3 =	vld [tilespmem:s22+$0x200];
	v0 =	vmul.f32 v0, v4;
	v4 =	vadd.f32 $1.000000000e+00, v5  }
0x37: {  	(erf) = vpow2.f32 v1;
	v2 =	vld [tilespmem:s22+$0x600]  }
0x38: {  	v1 =	vld [tilespmem:s22+$0x400];
	(erf) = vrcp.f32 v4;
	_ =	sdelay $0x1  }
0x39: {  	v5 =	vpop (erf);
	v6 =	vmul.f32 $1.442695020e+00, v0  }
0x3a: {  	s23 =	simm.s32 $0x50;
	v5 =	vadd.f32 $1.000000000e+00, v5  }
0x3b: {  	v0 =	vld [tilespmem:s23+$0x200];
	v3 =	vsub.f32 v3, v2;
	(erf) = vpow2.f32 v6  }
0x3c: {  	v2 =	vld [tilespmem:s23+$0x600];
	v4 =	vsub.f32 $0.0e+00, v1;
	(erf) = vrcp.f32 v5  }
0x3d: {  	v1 =	vld [tilespmem:s23+$0x400]  }
0x3e: {  	v4 =	vmul.f32 v3, v4  }
0x3f: {  	s24 =	simm.s32 $0x180;
	v3 =	vpop (erf)  }
.LBB2_2:
0x40: {  	s25 =	sshra.s32 s24, $0x2;
	v4 =	vmul.f32 $1.442695020e+00, v4;
	v5 =	vpop (erf);
	v6 =	vmov v0;
	p0 =	sne.s32 s24, $0x7C0  }
.Ltmp0:
0x41: {  	v3 =	vadd.f32 $1.000000000e+00, v3;
	v0 =	vld [tilespmem:s25+$0x200];
	[tilespmem:s18+$0x800] =	vst v5;
	s18 =	smov.u32 s19;
	s19 =	smov.u32 s20;
	(pc) =	sbr.rel @p0 .LBB2_2-.Ltmp0, $4  }
0x42: {  	v5 =	vsub.f32 $0.0e+00, v1;
	s20 =	smov.u32 s21;
	s21 =	smov.u32 s22;
	s22 =	smov.u32 s23;
	v1 =	vld [tilespmem:s25+$0x400];
	v6 =	vsub.f32 v6, v2;
	(erf) = vpow2.f32 v4  }
0x43: {  	s24 =	sadd.s32 $0x40, s24;
	s23 =	smov.u32 s25;
	v2 =	vld [tilespmem:s25+$0x600];
	(erf) = vrcp.f32 v3  }
0x44: {  	v4 =	vmul.f32 v6, v5  }
0x45: {  	v3 =	vpop (erf)  }
0x46: {  	_ =	sdelay $0x1  }
0x47: {  	v1 =	vsub.f32 $0.0e+00, v1;
	v0 =	vsub.f32 v0, v2;
	_ =	sdelay $0x1  }
0x48: {  	v53 =	vmul.f32 $1.442695020e+00, v4;
	v0 =	vmul.f32 v0, v1  }
0x49: {  	v54 =	vadd.f32 $1.000000000e+00, v3  }
0x4a: {  	(erf) = vpow2.f32 v53;
	v0 =	vmul.f32 $1.442695020e+00, v0  }
0x4b: {  	(erf) = vrcp.f32 v54  }
0x4c: {  	(erf) = vpow2.f32 v0;
	_ =	sdelay $0x3  }
0x4d: {  	v55 =	vpop (erf)  }
0x4e: {  	v56 =	vpop (erf)  }
0x4f: {  	v57 =	vpop (erf)  }
0x50: {  	v58 =	vpop (erf)  }
0x51: {  	v1 =	vadd.f32 $1.000000000e+00, v56;
	v59 =	vpop (erf)  }
0x52: {  	v3 =	vadd.f32 $1.000000000e+00, v58;
	v5 =	vpop (erf)  }
0x53: {  	(erf) = vrcp.f32 v1;
	v60 =	vadd.f32 $1.000000000e+00, v5  }
0x54: {  	(erf) = vrcp.f32 v3  }
0x55: {  	(erf) = vrcp.f32 v60;
	_ =	sdelay $0x4  }
0x56: {  	[tilespmem:s18+$0x800] =	vst v55  }
0x57: {  	[tilespmem:s19+$0x800] =	vst v57  }
0x58: {  	[tilespmem:s20+$0x800] =	vst v59;
	v61 =	vpop (erf)  }
0x59: {  	[tilespmem:s21+$0x800] =	vst v61;
	v62 =	vpop (erf)  }
0x5a: {  	[tilespmem:s22+$0x800] =	vst v62;
	v63 =	vpop (erf)  }
0x5b: {  	s17 =	sadd.s32 $0x1, s17;
	[tilespmem:s23+$0x800] =	vst v63  }
0x5c: {  	[hbm4b:s8+s2] =	stream.linear.scatter [tilespmem:s16], [sflag:$0x2], $0x200, $0x38;
	[tilespmem:$0xA00] =	vst v63  }
0x5d: {  	p0 =	sne.s32 s17, s9;
	_ =	swait.ge [sflag:s14], $0x200  }
.Ltmp1:
0x5e: {  	[sflag:s14] =	ssyncset.done $0x0;
	(pc) =	sbr.rel @p0 .LBB2_1-.Ltmp1, $4  }
0x5f: {  	[sflag:s14] =	ssyncadd.s32 $0xFFFFFE00  }
0x60: {  	_ =	swait.ge [sflag:s12], $0x200  }
0x61: {  	[sflag:s12] =	ssyncset.done $0x0  }
0x62: {  	[sflag:s12] =	ssyncadd.s32 $0xFFFFFE00  }
0x63: {  	_ =	sfence.sel $0x180000  }
0x64: {  	[bflag:$0x0] =	sbarrier.arrive $0xFFFF  }
0x65: {  	p0 =	sne.s32 s1, $0x0;
	_ =	strace $0x9000004A  }
0x66: {  	s0 =	sadd.s32 @!p0 $0x100000, s0;
	[bflag:$0x2] =	sbarrier.arrive $0xFFFF  }
0x67: {  	[sflag:s0] =	ssyncadd.tile.s32 @!p0 $0x1;
	_ =	shalt  }
.Lfunc_end2:
_tile_overlayer_lowered:
.L_overlay_start_2:
0x68: {  	(tag) =	ssettag $0x2  }
0x69: {  	s0 =	rddreg [dreg:$0x0];
	s2 =	stileid.u32  }
0x6a: {  	s1 =	rddreg [dreg:$0x1];
	p0 =	sne.s32 s2, $0x0  }
0x6b: {  	s3 =	rddreg [dreg:$0x2];
	[bflag:$0x3] =	sbarrier.arrive $0xFFFF;
	s2 =	simm.s32 @!p0 $0x1C04  }
0x6c: {  	[timem:s3], [sflag:s2] =	dma.local @!p0 [hbm:s0], s1  }
0x6d: {  	s0 =	simm.s32 @!p0 $0x4  }
0x6e: {  	_ =	swait.ge @!p0 [sflag:s0], s1  }
0x6f: {  	s1 =	ssub.s32 @!p0 $0x0, s1;
	[sflag:s0] =	ssyncset.done @!p0 $0x0  }
0x70: {  	[sflag:s0] =	ssyncadd.s32 @!p0 s1  }
0x71: {  	[bflag:$0x3] =	sbarrier.arrive $0xFFFF  }
0x72: {  	_ =	shalt  }

</sc_bundles>
